<compile_context>
chip_gen: v7x
topology: tpu7x:2x2x1
jax: 0.10.2.dev20260603
libtpu: 0.0.44.dev20260713+nightly
codegen_flags: <defaults>
</compile_context>

<pallas_src>
import functools

import jax
import jax.numpy as jnp
from jax import lax
from jax.experimental import pallas as pl
from jax.experimental.pallas import tpu as pltpu
from jax.experimental.pallas import tpu_sc as plsc

N = 10000
E = 320000
H = 128
G = 64
OUT = 12
EPS = 1e-5

NC = 2
NS = 16
NW = NC * NS
CH = 128
NCHUNK = 2560
EPAD = NCHUNK * CH
REAL_NCHUNK = E // CH
TCH = NCHUNK // NW
NBUF = 2
THALF = 40
ZR = 8
NZ = 10000 // ZR
NXT = N + 16
ZROWS = 80
NQ = N // ZROWS
DEGW = 16

_HIGH = lax.Precision.HIGHEST

@functools.lru_cache(maxsize=None)
def _sc_mesh():
    return plsc.VectorSubcoreMesh(core_axis_name="c", subcore_axis_name="s",
                                  num_cores=NC)


def _deg_body(dst_hbm, out_hbm, dstidx, onesv, zbuf, acc, dsem, osem):
    cid = lax.axis_index("c")
    sid = lax.axis_index("s")
    wid = sid * NC + cid

    pltpu.async_copy(dst_hbm.at[pl.ds(wid * TCH, TCH)], dstidx, dsem)

    @pl.loop(0, CH)
    def _(i):
        onesv[i, :] = jnp.ones((DEGW,), jnp.float32)

    @pl.loop(0, ZROWS)
    def _(i):
        zbuf[i, :] = jnp.zeros((DEGW,), jnp.float32)

    nq = jnp.where(sid < NQ % NS, NQ // NS + 1, NQ // NS)

    @pl.loop(0, nq)
    def _(k):
        pltpu.sync_copy(zbuf, acc.at[pl.ds((k * NS + sid) * ZROWS, ZROWS)])

    pltpu.make_async_copy(dst_hbm.at[pl.ds(0, TCH)], dstidx, dsem).wait()
    plsc.subcore_barrier()

    nch = jnp.clip(REAL_NCHUNK - wid * TCH, 0, TCH)

    del osem

    @pl.loop(0, nch)
    def _(c):
        pltpu.sync_copy(onesv, acc.at[dstidx.at[c]], add=True)

    plsc.subcore_barrier()

    @pl.loop(0, nq)
    def _(k):
        r0 = (k * NS + sid) * ZROWS
        pltpu.sync_copy(acc.at[pl.ds(r0, ZROWS)],
                        out_hbm.at[pl.ds(cid * N + r0, ZROWS)])


@jax.jit
def _sc_deg(dst2d):
    k = pl.kernel(
        _deg_body,
        out_type=jax.ShapeDtypeStruct((NC * N, DEGW), jnp.float32),
        mesh=_sc_mesh(),
        scratch_types=[
            pltpu.VMEM((TCH, CH), jnp.int32),
            pltpu.VMEM((CH, DEGW), jnp.float32),
            pltpu.VMEM((ZROWS, DEGW), jnp.float32),
            pltpu.VMEM_SHARED((N, DEGW), jnp.float32),
            pltpu.SemaphoreType.DMA,
            pltpu.SemaphoreType.DMA,
        ],
    )
    return k(dst2d)


def _agg_body(hs_hbm, src_hbm, dst_hbm, out_hbm,
              srcidx, dstidx, rows0, rows1, zbuf, acc,
              isem, gsem0, gsem1):
    cid = lax.axis_index("c")
    sid = lax.axis_index("s")
    wid = sid * NC + cid
    rows = (rows0, rows1)
    gsem = (gsem0, gsem1)

    pltpu.async_copy(src_hbm.at[pl.ds(wid * TCH, THALF)], srcidx, isem)
    pltpu.async_copy(dst_hbm.at[pl.ds(wid * TCH, THALF)], dstidx, isem)

    @pl.loop(0, ZR)
    def _(i):
        @pl.loop(0, H // 16)
        def _(j):
            zbuf[i, pl.ds(j * 16, 16)] = jnp.zeros((16,), jnp.float32)

    nz = jnp.where(sid < NZ % NS, NZ // NS + 1, NZ // NS)

    @pl.loop(0, nz)
    def _(k):
        pltpu.sync_copy(zbuf, acc.at[pl.ds((k * NS + sid) * ZR, ZR)])

    pltpu.make_async_copy(src_hbm.at[pl.ds(0, THALF)], srcidx, isem).wait()
    pltpu.make_async_copy(dst_hbm.at[pl.ds(0, THALF)], dstidx, isem).wait()
    plsc.subcore_barrier()

    for ph in range(TCH // THALF):
        if ph > 0:
            pltpu.async_copy(
                src_hbm.at[pl.ds(wid * TCH + ph * THALF, THALF)], srcidx,
                isem)
            pltpu.async_copy(
                dst_hbm.at[pl.ds(wid * TCH + ph * THALF, THALF)], dstidx,
                isem)
            pltpu.make_async_copy(src_hbm.at[pl.ds(0, THALF)], srcidx,
                                  isem).wait()
            pltpu.make_async_copy(dst_hbm.at[pl.ds(0, THALF)], dstidx,
                                  isem).wait()

        for b in range(NBUF):
            pltpu.async_copy(hs_hbm.at[srcidx.at[b]], rows[b], gsem[b])

        @pl.loop(0, THALF, step=NBUF)
        def _(g):
            for b in range(NBUF):
                c = g + b
                pltpu.make_async_copy(hs_hbm.at[pl.ds(0, CH)], rows[b],
                                      gsem[b]).wait()
                pltpu.sync_copy(rows[b], acc.at[dstidx.at[c]], add=True)

                @pl.when(c + NBUF < THALF)
                def _():
                    pltpu.async_copy(hs_hbm.at[srcidx.at[c + NBUF]], rows[b],
                                     gsem[b])

    plsc.subcore_barrier()

    nq = jnp.where(sid < NQ % NS, NQ // NS + 1, NQ // NS)

    @pl.loop(0, nq)
    def _(k):
        r0 = (k * NS + sid) * ZROWS
        pltpu.sync_copy(acc.at[pl.ds(r0, ZROWS)],
                        out_hbm.at[pl.ds(cid * N + r0, ZROWS)])


@jax.jit
def _sc_agg(hs, src2d, dst2d):
    k = pl.kernel(
        _agg_body,
        out_type=jax.ShapeDtypeStruct((NC * N, H), jnp.float32),
        mesh=_sc_mesh(),
        scratch_types=[
            pltpu.VMEM((THALF, CH), jnp.int32),
            pltpu.VMEM((THALF, CH), jnp.int32),
            pltpu.VMEM((CH, H), jnp.float32),
            pltpu.VMEM((CH, H), jnp.float32),
            pltpu.VMEM((ZR, H), jnp.float32),
            pltpu.VMEM_SHARED((N, H), jnp.float32),
            pltpu.SemaphoreType.DMA,
            pltpu.SemaphoreType.DMA,
            pltpu.SemaphoreType.DMA,
        ],
    )
    return k(hs, src2d, dst2d)


def _emb_kernel(x_ref, wemb_ref, bemb_ref, wc_ref, o_ref):
    h = jnp.dot(x_ref[...], wemb_ref[...], precision=_HIGH,
                preferred_element_type=jnp.float32) + bemb_ref[...]
    o_ref[...] = jnp.dot(h, wc_ref[...], precision=_HIGH,
                         preferred_element_type=jnp.float32)


def _tc_emb(x, W_emb, b_emb, W_c0):
    return pl.pallas_call(
        _emb_kernel,
        out_shape=jax.ShapeDtypeStruct((N, H), jnp.float32),
    )(x, W_emb, b_emb.reshape(1, H), W_c0)


def _scale_kernel(degp_ref, hl_ref, hs_ref, dinv_ref):
    deg = degp_ref[0:N, 0:1] + degp_ref[N:2 * N, 0:1] + 1.0
    dinv = lax.rsqrt(deg)
    dinv_ref[...] = dinv
    hs_ref[0:N, :] = hl_ref[...] * dinv
    hs_ref[N:NXT, :] = jnp.zeros((NXT - N, H), jnp.float32)


def _tc_scale(degp, hl):
    return pl.pallas_call(
        _scale_kernel,
        out_shape=(jax.ShapeDtypeStruct((NXT, H), jnp.float32),
                   jax.ShapeDtypeStruct((N, 1), jnp.float32)),
    )(degp, hl)


def _mid_kernel(accp_ref, hs_ref, dinv_ref, b_ref, g_ref, bb_ref, w_ref,
                o_ref):
    dinv = dinv_ref[...]
    pre = (accp_ref[0:N, :] + accp_ref[N:2 * N, :] + hs_ref[0:N, :]) * dinv \
        + b_ref[...]
    mean = jnp.mean(pre, axis=0, keepdims=True)
    var = jnp.mean((pre - mean) ** 2, axis=0, keepdims=True)
    hn = (pre - mean) * lax.rsqrt(var + EPS) * g_ref[...] + bb_ref[...]
    h = jnp.maximum(hn, 0.0)
    o_ref[0:N, :] = jnp.dot(h, w_ref[...], precision=_HIGH,
                            preferred_element_type=jnp.float32) * dinv
    o_ref[N:NXT, :] = jnp.zeros((NXT - N, H), jnp.float32)


def _tc_mid(accp, hs, dinv, b, g, bb, W_next):
    return pl.pallas_call(
        _mid_kernel,
        out_shape=jax.ShapeDtypeStruct((NXT, H), jnp.float32),
    )(accp, hs, dinv, b.reshape(1, H), g.reshape(1, H), bb.reshape(1, H),
      W_next)


def _final_kernel(accp_ref, hs_ref, dinv_ref, b_ref, g_ref, bb_ref,
                  batch_ref, wh1_ref, bh1_ref, wh2_ref, bh2_ref, o_ref):
    dinv = dinv_ref[...]
    pre = (accp_ref[0:N, :] + accp_ref[N:2 * N, :] + hs_ref[0:N, :]) * dinv \
        + b_ref[...]
    mean = jnp.mean(pre, axis=0, keepdims=True)
    var = jnp.mean((pre - mean) ** 2, axis=0, keepdims=True)
    hn = (pre - mean) * lax.rsqrt(var + EPS) * g_ref[...] + bb_ref[...]
    h = jnp.maximum(hn, 0.0)
    seg = lax.broadcasted_iota(jnp.int32, (N, G), 1)
    onehot = (batch_ref[...] == seg).astype(jnp.float32)
    pooled = lax.dot_general(onehot, h, (((0,), (0,)), ((), ())),
                             precision=_HIGH,
                             preferred_element_type=jnp.float32)
    z = jnp.maximum(
        jnp.dot(pooled, wh1_ref[...], precision=_HIGH,
                preferred_element_type=jnp.float32) + bh1_ref[...], 0.0)
    o_ref[...] = jnp.dot(z, wh2_ref[...], precision=_HIGH,
                         preferred_element_type=jnp.float32) + bh2_ref[...]


def _tc_final(accp, hs, dinv, b, g, bb, batch2d, W_h1, b_h1, W_h2, b_h2):
    return pl.pallas_call(
        _final_kernel,
        out_shape=jax.ShapeDtypeStruct((G, OUT), jnp.float32),
    )(accp, hs, dinv, b.reshape(1, H), g.reshape(1, H), bb.reshape(1, H),
      batch2d, W_h1, b_h1.reshape(1, H // 2), W_h2, b_h2.reshape(1, OUT))


def kernel(x, edge_index, batch, W_emb, b_emb, W_c0, b_c0, bn_g0, bn_b0,
           W_c1, b_c1, bn_g1, bn_b1, W_c2, b_c2, bn_g2, bn_b2,
           W_h1, b_h1, W_h2, b_h2):
    src = edge_index[0]
    dst = edge_index[1]
    pad = EPAD - E
    src2d = jnp.concatenate(
        [src, N + (jnp.arange(pad, dtype=jnp.int32) % (NXT - N))]
    ).reshape(NCHUNK, CH)
    dst2d = jnp.concatenate(
        [dst, jnp.arange(pad, dtype=jnp.int32) % N]).reshape(NCHUNK, CH)
    batch2d = batch.reshape(N, 1)

    degp = _sc_deg(dst2d)
    hl0 = _tc_emb(x, W_emb, b_emb, W_c0)
    hs0, dinv = _tc_scale(degp, hl0)

    acc0 = _sc_agg(hs0, src2d, dst2d)
    hs1 = _tc_mid(acc0, hs0, dinv, b_c0, bn_g0, bn_b0, W_c1)
    acc1 = _sc_agg(hs1, src2d, dst2d)
    hs2 = _tc_mid(acc1, hs1, dinv, b_c1, bn_g1, bn_b1, W_c2)
    acc2 = _sc_agg(hs2, src2d, dst2d)

    return _tc_final(acc2, hs2, dinv, b_c2, bn_g2, bn_b2, batch2d,
                     W_h1, b_h1, W_h2, b_h2)

# --- scband reference (transcript-rebuilt; emitter-appended) ---
"""Pipeline reference for scband-gcnmodel-87205015978674 (READ-ONLY COPY).

The authoritative reference and input builder live on the scoring server;
editing this copy changes nothing except your own understanding.
"""

import jax, jax.numpy as jnp
import numpy as np

N = 10000
E = 320000
H = 128
G = 64
OUT = 12
EPS = 1e-5


def setup_inputs(seed: int = 0):
    key = jax.random.key(seed)
    ks = jax.random.split(key, 24)
    inp = {}
    inp["x"] = jax.random.normal(ks[0], (N, H), dtype=jnp.float32)
    inp["edge_index"] = jax.random.randint(ks[1], (2, E), 0, N, dtype=jnp.int32)
    inp["batch"] = jnp.sort(jax.random.randint(ks[2], (N,), 0, G, dtype=jnp.int32))
    s = 1.0 / np.sqrt(H)
    inp["W_emb"] = jax.random.uniform(ks[3], (H, H), jnp.float32, -s, s)
    inp["b_emb"] = jnp.zeros((H,), jnp.float32)
    for i in range(3):
        inp[f"W_c{i}"] = jax.random.uniform(ks[4 + i], (H, H), jnp.float32, -s, s)
        inp[f"b_c{i}"] = jnp.zeros((H,), jnp.float32)
        inp[f"bn_g{i}"] = jnp.ones((H,), jnp.float32)
        inp[f"bn_b{i}"] = jnp.zeros((H,), jnp.float32)
    sh = 1.0 / np.sqrt(H)
    inp["W_h1"] = jax.random.uniform(ks[8], (H, H // 2), jnp.float32, -sh, sh)
    inp["b_h1"] = jnp.zeros((H // 2,), jnp.float32)
    s2 = 1.0 / np.sqrt(H // 2)
    inp["W_h2"] = jax.random.uniform(ks[9], (H // 2, OUT), jnp.float32, -s2, s2)
    inp["b_h2"] = jnp.zeros((OUT,), jnp.float32)
    return inp


def gcn_conv(x, src, dst, W, b):
    # PyG GCNConv: linear transform, then normalized sum aggregation with self-loops
    h = x @ W
    loop = jnp.arange(N, dtype=src.dtype)
    s = jnp.concatenate([src, loop])
    d = jnp.concatenate([dst, loop])
    deg = jnp.zeros((N,), jnp.float32).at[d].add(1.0)
    dinv = jnp.where(deg > 0, 1.0 / jnp.sqrt(deg), 0.0)
    norm = dinv[s] * dinv[d]
    msg = h[s] * norm[:, None]
    out = jnp.zeros_like(h).at[d].add(msg)
    return out + b


def batchnorm(x, g, b):
    mean = jnp.mean(x, axis=0)
    var = jnp.mean((x - mean) ** 2, axis=0)
    return (x - mean) / jnp.sqrt(var + EPS) * g + b


def reference(x, edge_index, batch, W_emb, b_emb, W_c0, b_c0, bn_g0, bn_b0, W_c1, b_c1, bn_g1, bn_b1, W_c2, b_c2, bn_g2, bn_b2, W_h1, b_h1, W_h2, b_h2):
    src, dst = edge_index[0], edge_index[1]
    h = x @ W_emb + b_emb
    convs = [(W_c0, b_c0, bn_g0, bn_b0), (W_c1, b_c1, bn_g1, bn_b1), (W_c2, b_c2, bn_g2, bn_b2)]
    for (Wc, bc, g, bb) in convs:
        h = gcn_conv(h, src, dst, Wc, bc)
        h = batchnorm(h, g, bb)
        h = jax.nn.relu(h)
        # dropout: identity in eval mode
    pooled = jax.ops.segment_sum(h, batch, num_segments=G)
    z = jax.nn.relu(pooled @ W_h1 + b_h1)
    return z @ W_h2 + b_h2

if __name__ == "__main__":
    import jax
    _d = setup_inputs()
    print(jax.jit(kernel)(*tuple(_d.values())))

</pallas_src>

<mosaic_0001>
#map = affine_map<(d0, d1) -> (0, 0)>
module attributes {stable_mosaic.version = 14 : i64} {
  func.func @_deg_body(%arg0: i32, %arg1: i32, %arg2: memref<2560x128xi32, #tpu.memory_space<hbm>>, %arg3: memref<20000x16xf32, #tpu.memory_space<hbm>>, %arg4: memref<80x128xi32, #tpu.memory_space<vmem>>, %arg5: memref<128x16xf32, #tpu.memory_space<vmem>>, %arg6: memref<80x16xf32, #tpu.memory_space<vmem>>, %arg7: memref<10000x16xf32, #tpu.memory_space<vmem_shared>>, %arg8: memref<!tpu.dma_semaphore, #tpu.memory_space<semaphore_mem>>, %arg9: memref<!tpu.dma_semaphore, #tpu.memory_space<semaphore_mem>>) attributes {dimension_semantics = [#tpu.dimension_semantics<core_parallel>, #tpu.dimension_semantics<subcore_parallel>], iteration_bounds = array<i64: 2, 16>, scalar_prefetch = 0 : i64, scratch_operands = 6 : i64, tpu.core_type = #tpu.core_type<sc_vector_subcore>, window_params = [{transform_indices = #map}, {transform_indices = #map}]} {
    %mul3A = arith.constant 2 : i32
    %mul3A_0 = arith.muli %arg1, %mul3A : i32
    %add3A = arith.addi %mul3A_0, %arg0 : i32
    %mul3A_1 = arith.constant 80 : i32
    %mul3A_2 = arith.muli %add3A, %mul3A_1 : i32
    %dma_start3A = arith.constant 0 : i32
    %dma_start3A_3 = tpu.memref_slice %arg2[%mul3A_2, %dma_start3A] : memref<2560x128xi32, #tpu.memory_space<hbm>> -> memref<80x128xi32, #tpu.memory_space<hbm>>
    %dma_start3A_4 = arith.constant 0 : i32
    %dma_start3A_5 = tpu.memref_slice %arg2[%mul3A_2, %dma_start3A_4] : memref<2560x128xi32, #tpu.memory_space<hbm>> -> memref<80x128xi32, #tpu.memory_space<hbm>>
    tpu.enqueue_dma source(%dma_start3A_5 : memref<80x128xi32, #tpu.memory_space<hbm>>) target(%arg4 : memref<80x128xi32, #tpu.memory_space<vmem>>) target_semaphore(%arg8 : memref<!tpu.dma_semaphore, #tpu.memory_space<semaphore_mem>>)
    %scan3A = arith.constant 0 : i32
    %scan3A_6 = arith.constant 128 : i32
    %scan3A_7 = arith.addi %scan3A, %scan3A_6 : i32
    %scan3A_8 = arith.constant 1 : i32
    scf.for %scan3A_83 = %scan3A to %scan3A_7 step %scan3A_8  : i32 {
      %mul3A_84 = arith.constant 1 : i32
      %mul3A_85 = arith.muli %scan3A_83, %mul3A_84 : i32
      %add3A_86 = arith.constant 0 : i32
      %add3A_87 = arith.addi %add3A_86, %mul3A_85 : i32
      %broadcast_in_dim3A = arith.constant 1.000000e+00 : f32
      %broadcast_in_dim3A_88 = vector.broadcast %broadcast_in_dim3A : f32 to vector<16xf32>
      %swap3A = arith.index_cast %add3A_87 : i32 to index
      %swap3A_89 = arith.constant 0 : index
      %swap3A_90 = tpu.vector_load %arg5[%swap3A, %swap3A_89] {strides = array<i32>} : memref<128x16xf32, #tpu.memory_space<vmem>>, vector<1x16xf32>,
      %swap3A_91 = vector.shape_cast %swap3A_90 : vector<1x16xf32> to vector<16xf32>
      %swap3A_92 = vector.shape_cast %broadcast_in_dim3A_88 : vector<16xf32> to vector<1x16xf32>
      tpu.vector_store %arg5[%swap3A, %swap3A_89], %swap3A_92 {strides = array<i32>} : memref<128x16xf32, #tpu.memory_space<vmem>>, vector<1x16xf32>,
    }
    %scan3A_9 = arith.constant 128 : i32
    %scan3A_10 = arith.constant 0 : i32
    %scan3A_11 = arith.constant 80 : i32
    %scan3A_12 = arith.addi %scan3A_10, %scan3A_11 : i32
    %scan3A_13 = arith.constant 1 : i32
    scf.for %scan3A_83 = %scan3A_10 to %scan3A_12 step %scan3A_13  : i32 {
      %mul3A_84 = arith.constant 1 : i32
      %mul3A_85 = arith.muli %scan3A_83, %mul3A_84 : i32
      %add3A_86 = arith.constant 0 : i32
      %add3A_87 = arith.addi %add3A_86, %mul3A_85 : i32
      %broadcast_in_dim3A = arith.constant 0.000000e+00 : f32
      %broadcast_in_dim3A_88 = vector.broadcast %broadcast_in_dim3A : f32 to vector<16xf32>
      %swap3A = arith.index_cast %add3A_87 : i32 to index
      %swap3A_89 = arith.constant 0 : index
      %swap3A_90 = tpu.vector_load %arg6[%swap3A, %swap3A_89] {strides = array<i32>} : memref<80x16xf32, #tpu.memory_space<vmem>>, vector<1x16xf32>,
      %swap3A_91 = vector.shape_cast %swap3A_90 : vector<1x16xf32> to vector<16xf32>
      %swap3A_92 = vector.shape_cast %broadcast_in_dim3A_88 : vector<16xf32> to vector<1x16xf32>
      tpu.vector_store %arg6[%swap3A, %swap3A_89], %swap3A_92 {strides = array<i32>} : memref<80x16xf32, #tpu.memory_space<vmem>>, vector<1x16xf32>,
    }
    %scan3A_14 = arith.constant 80 : i32
    %lt3A = arith.constant 13 : i32
    %lt3A_15 = arith.cmpi slt, %arg1, %lt3A : i32
    %jit3A = arith.constant 8 : i32
    %jit3A_16 = arith.constant 7 : i32
    %select_n3A = arith.select %lt3A_15, %jit3A, %jit3A_16 : i32
    %sub3A = arith.constant 0 : i32
    %sub3A_17 = arith.subi %select_n3A, %sub3A : i32
    %sub3A_18 = arith.constant 1 : i32
    %sub3A_19 = arith.constant 1 : i32
    %sub3A_20 = arith.subi %sub3A_18, %sub3A_19 : i32
    %add3A_21 = arith.addi %sub3A_17, %sub3A_20 : i32
    %div3A = arith.constant 1 : i32
    %div3A_22 = arith.divsi %add3A_21, %div3A : i32
    %while3A = arith.constant 1 : i32
    %while3A_23 = arith.constant 0 : i32
    %while3A_24 = arith.constant 0 : i32
    %while3A_25 = arith.subi %div3A_22, %while3A_24 : i32
    %while3A_26 = arith.addi %while3A_24, %while3A_25 : i32
    %while3A_27 = arith.constant 1 : i32
    %while3A_28 = arith.divsi %while3A_25, %while3A_27 : i32
    %while3A_29 = arith.muli %while3A_28, %while3A_27 : i32
    %while3A_30 = arith.addi %while3A_24, %while3A_29 : i32
    %while3A_31 = arith.constant 1 : i32
    scf.for %while3A_83 = %while3A_24 to %while3A_30 step %while3A_31  : i32 {
      %mul3A_84 = arith.muli %while3A_83, %while3A : i32
      %add3A_85 = arith.addi %while3A_23, %mul3A_84 : i32
      %mul3A_86 = arith.constant 16 : i32
      %mul3A_87 = arith.muli %add3A_85, %mul3A_86 : i32
      %add3A_88 = arith.addi %mul3A_87, %arg1 : i32
      %mul3A_89 = arith.constant 80 : i32
      %mul3A_90 = arith.muli %add3A_88, %mul3A_89 : i32
      "tpu.region"() ({
        %run_scoped3A = tpu.sem_alloc : memref<!tpu.dma_semaphore, #tpu.memory_space<semaphore_mem>>
        %dma_start3A_91 = arith.constant 0 : i32
        %dma_start3A_92 = tpu.memref_slice %arg7[%mul3A_90, %dma_start3A_91] : memref<10000x16xf32, #tpu.memory_space<vmem_shared>> -> memref<80x16xf32, #tpu.memory_space<vmem_shared>>
        %dma_start3A_93 = arith.constant 0 : i32
        %dma_start3A_94 = tpu.memref_slice %arg7[%mul3A_90, %dma_start3A_93] : memref<10000x16xf32, #tpu.memory_space<vmem_shared>> -> memref<80x16xf32, #tpu.memory_space<vmem_shared>>
        tpu.enqueue_dma source(%arg6 : memref<80x16xf32, #tpu.memory_space<vmem>>) target(%dma_start3A_94 : memref<80x16xf32, #tpu.memory_space<vmem_shared>>) target_semaphore(%run_scoped3A : memref<!tpu.dma_semaphore, #tpu.memory_space<semaphore_mem>>)
        %dma_wait3A_95 = arith.constant 0 : i32
        %dma_wait3A_96 = tpu.memref_slice %arg7[%mul3A_90, %dma_wait3A_95] : memref<10000x16xf32, #tpu.memory_space<vmem_shared>> -> memref<80x16xf32, #tpu.memory_space<vmem_shared>>
        %dma_wait3A_97 = arith.constant 0 : i32
        %dma_wait3A_98 = tpu.memref_slice %arg7[%mul3A_90, %dma_wait3A_97] : memref<10000x16xf32, #tpu.memory_space<vmem_shared>> -> memref<80x16xf32, #tpu.memory_space<vmem_shared>>
        tpu.wait_dma2 semaphore(%run_scoped3A : memref<!tpu.dma_semaphore, #tpu.memory_space<semaphore_mem>>) src(%arg6 : memref<80x16xf32, #tpu.memory_space<vmem>>) dst(%dma_wait3A_98 : memref<80x16xf32, #tpu.memory_space<vmem_shared>>)
        tpu.yield
      }) : () -> ()
    }
    %while3A_32 = arith.constant 1 : i32
    scf.for %while3A_83 = %while3A_30 to %while3A_26 step %while3A_32  : i32 {
      %mul3A_84 = arith.muli %while3A_83, %while3A : i32
      %add3A_85 = arith.addi %while3A_23, %mul3A_84 : i32
      %mul3A_86 = arith.constant 16 : i32
      %mul3A_87 = arith.muli %add3A_85, %mul3A_86 : i32
      %add3A_88 = arith.addi %mul3A_87, %arg1 : i32
      %mul3A_89 = arith.constant 80 : i32
      %mul3A_90 = arith.muli %add3A_88, %mul3A_89 : i32
      "tpu.region"() ({
        %run_scoped3A = tpu.sem_alloc : memref<!tpu.dma_semaphore, #tpu.memory_space<semaphore_mem>>
        %dma_start3A_91 = arith.constant 0 : i32
        %dma_start3A_92 = tpu.memref_slice %arg7[%mul3A_90, %dma_start3A_91] : memref<10000x16xf32, #tpu.memory_space<vmem_shared>> -> memref<80x16xf32, #tpu.memory_space<vmem_shared>>
        %dma_start3A_93 = arith.constant 0 : i32
        %dma_start3A_94 = tpu.memref_slice %arg7[%mul3A_90, %dma_start3A_93] : memref<10000x16xf32, #tpu.memory_space<vmem_shared>> -> memref<80x16xf32, #tpu.memory_space<vmem_shared>>
        tpu.enqueue_dma source(%arg6 : memref<80x16xf32, #tpu.memory_space<vmem>>) target(%dma_start3A_94 : memref<80x16xf32, #tpu.memory_space<vmem_shared>>) target_semaphore(%run_scoped3A : memref<!tpu.dma_semaphore, #tpu.memory_space<semaphore_mem>>)
        %dma_wait3A_95 = arith.constant 0 : i32
        %dma_wait3A_96 = tpu.memref_slice %arg7[%mul3A_90, %dma_wait3A_95] : memref<10000x16xf32, #tpu.memory_space<vmem_shared>> -> memref<80x16xf32, #tpu.memory_space<vmem_shared>>
        %dma_wait3A_97 = arith.constant 0 : i32
        %dma_wait3A_98 = tpu.memref_slice %arg7[%mul3A_90, %dma_wait3A_97] : memref<10000x16xf32, #tpu.memory_space<vmem_shared>> -> memref<80x16xf32, #tpu.memory_space<vmem_shared>>
        tpu.wait_dma2 semaphore(%run_scoped3A : memref<!tpu.dma_semaphore, #tpu.memory_space<semaphore_mem>>) src(%arg6 : memref<80x16xf32, #tpu.memory_space<vmem>>) dst(%dma_wait3A_98 : memref<80x16xf32, #tpu.memory_space<vmem_shared>>)
        tpu.yield
      }) : () -> ()
    }
    %dma_wait3A = arith.constant 0 : i32
    %dma_wait3A_33 = arith.constant 0 : i32
    %dma_wait3A_34 = tpu.memref_slice %arg2[%dma_wait3A, %dma_wait3A_33] : memref<2560x128xi32, #tpu.memory_space<hbm>> -> memref<80x128xi32, #tpu.memory_space<hbm>>
    %dma_wait3A_35 = arith.constant 0 : i32
    %dma_wait3A_36 = arith.constant 0 : i32
    %dma_wait3A_37 = tpu.memref_slice %arg2[%dma_wait3A_35, %dma_wait3A_36] : memref<2560x128xi32, #tpu.memory_space<hbm>> -> memref<80x128xi32, #tpu.memory_space<hbm>>
    tpu.wait_dma2 semaphore(%arg8 : memref<!tpu.dma_semaphore, #tpu.memory_space<semaphore_mem>>) src(%dma_wait3A_37 : memref<80x128xi32, #tpu.memory_space<hbm>>) dst(%arg4 : memref<80x128xi32, #tpu.memory_space<vmem>>)
    %barrier3A = arith.constant 0 : index
    tpu.barrier barrier_id(%barrier3A)
    %mul3A_38 = arith.constant 80 : i32
    %mul3A_39 = arith.muli %add3A, %mul3A_38 : i32
    %sub3A_40 = arith.constant 2500 : i32
    %sub3A_41 = arith.subi %sub3A_40, %mul3A_39 : i32
    %jit3A_42 = arith.constant 0 : i32
    %jit3A_43 = arith.constant 80 : i32
    %max3A = arith.maxsi %jit3A_42, %sub3A_41 : i32
    %min3A = arith.minsi %jit3A_43, %max3A : i32
    %sub3A_44 = arith.constant 0 : i32
    %sub3A_45 = arith.subi %min3A, %sub3A_44 : i32
    %sub3A_46 = arith.constant 1 : i32
    %sub3A_47 = arith.constant 1 : i32
    %sub3A_48 = arith.subi %sub3A_46, %sub3A_47 : i32
    %add3A_49 = arith.addi %sub3A_45, %sub3A_48 : i32
    %div3A_50 = arith.constant 1 : i32
    %div3A_51 = arith.divsi %add3A_49, %div3A_50 : i32
    %while3A_52 = arith.constant 1 : i32
    %while3A_53 = arith.constant 0 : i32
    %while3A_54 = arith.constant 0 : i32
    %while3A_55 = arith.subi %div3A_51, %while3A_54 : i32
    %while3A_56 = arith.addi %while3A_54, %while3A_55 : i32
    %while3A_57 = arith.constant 1 : i32
    %while3A_58 = arith.divsi %while3A_55, %while3A_57 : i32
    %while3A_59 = arith.muli %while3A_58, %while3A_57 : i32
    %while3A_60 = arith.addi %while3A_54, %while3A_59 : i32
    %while3A_61 = arith.constant 1 : i32
    scf.for %while3A_83 = %while3A_54 to %while3A_60 step %while3A_61  : i32 {
      %mul3A_84 = arith.muli %while3A_83, %while3A_52 : i32
      %add3A_85 = arith.addi %while3A_53, %mul3A_84 : i32
      "tpu.region"() ({
        %run_scoped3A = tpu.sem_alloc : memref<!tpu.dma_semaphore, #tpu.memory_space<semaphore_mem>>
        %dma_start3A_86 = arith.constant 0 : i32
        %dma_start3A_87 = tpu.memref_slice %arg4[%add3A_85, %dma_start3A_86] : memref<80x128xi32, #tpu.memory_space<vmem>> -> memref<1x128xi32, #tpu.memory_space<vmem>>
        %dma_start3A_88 = tpu.memref_squeeze %dma_start3A_87 : memref<1x128xi32, #tpu.memory_space<vmem>> -> memref<128xi32, #tpu.memory_space<vmem>>
        %dma_start3A_89 = arith.constant 0 : i32
        %dma_start3A_90 = arith.constant 0 : i32
        %dma_start3A_91 = tpu.memref_slice %arg7[%dma_start3A_89, %dma_start3A_90] : memref<10000x16xf32, #tpu.memory_space<vmem_shared>> -> memref<10000x16xf32, #tpu.memory_space<vmem_shared>>
        tpu.enqueue_indirect_dma source(%arg5 : memref<128x16xf32, #tpu.memory_space<vmem>>) target(%dma_start3A_91 : memref<10000x16xf32, #tpu.memory_space<vmem_shared>>) offsets(%dma_start3A_88 : memref<128xi32, #tpu.memory_space<vmem>>) semaphore(%run_scoped3A : memref<!tpu.dma_semaphore, #tpu.memory_space<semaphore_mem>>) {add = true}
        %dma_wait3A_92 = arith.constant 0 : i32
        %dma_wait3A_93 = tpu.memref_slice %arg4[%add3A_85, %dma_wait3A_92] : memref<80x128xi32, #tpu.memory_space<vmem>> -> memref<1x128xi32, #tpu.memory_space<vmem>>
        %dma_wait3A_94 = tpu.memref_squeeze %dma_wait3A_93 : memref<1x128xi32, #tpu.memory_space<vmem>> -> memref<128xi32, #tpu.memory_space<vmem>>
        %dma_wait3A_95 = arith.constant 0 : i32
        %dma_wait3A_96 = arith.constant 0 : i32
        %dma_wait3A_97 = tpu.memref_slice %arg7[%dma_wait3A_95, %dma_wait3A_96] : memref<10000x16xf32, #tpu.memory_space<vmem_shared>> -> memref<10000x16xf32, #tpu.memory_space<vmem_shared>>
        tpu.wait_indirect_dma semaphore(%run_scoped3A : memref<!tpu.dma_semaphore, #tpu.memory_space<semaphore_mem>>) src(%arg5 : memref<128x16xf32, #tpu.memory_space<vmem>>) dst(%dma_wait3A_97 : memref<10000x16xf32, #tpu.memory_space<vmem_shared>>)
        tpu.yield
      }) : () -> ()
    }
    %while3A_62 = arith.constant 1 : i32
    scf.for %while3A_83 = %while3A_60 to %while3A_56 step %while3A_62  : i32 {
      %mul3A_84 = arith.muli %while3A_83, %while3A_52 : i32
      %add3A_85 = arith.addi %while3A_53, %mul3A_84 : i32
      "tpu.region"() ({
        %run_scoped3A = tpu.sem_alloc : memref<!tpu.dma_semaphore, #tpu.memory_space<semaphore_mem>>
        %dma_start3A_86 = arith.constant 0 : i32
        %dma_start3A_87 = tpu.memref_slice %arg4[%add3A_85, %dma_start3A_86] : memref<80x128xi32, #tpu.memory_space<vmem>> -> memref<1x128xi32, #tpu.memory_space<vmem>>
        %dma_start3A_88 = tpu.memref_squeeze %dma_start3A_87 : memref<1x128xi32, #tpu.memory_space<vmem>> -> memref<128xi32, #tpu.memory_space<vmem>>
        %dma_start3A_89 = arith.constant 0 : i32
        %dma_start3A_90 = arith.constant 0 : i32
        %dma_start3A_91 = tpu.memref_slice %arg7[%dma_start3A_89, %dma_start3A_90] : memref<10000x16xf32, #tpu.memory_space<vmem_shared>> -> memref<10000x16xf32, #tpu.memory_space<vmem_shared>>
        tpu.enqueue_indirect_dma source(%arg5 : memref<128x16xf32, #tpu.memory_space<vmem>>) target(%dma_start3A_91 : memref<10000x16xf32, #tpu.memory_space<vmem_shared>>) offsets(%dma_start3A_88 : memref<128xi32, #tpu.memory_space<vmem>>) semaphore(%run_scoped3A : memref<!tpu.dma_semaphore, #tpu.memory_space<semaphore_mem>>) {add = true}
        %dma_wait3A_92 = arith.constant 0 : i32
        %dma_wait3A_93 = tpu.memref_slice %arg4[%add3A_85, %dma_wait3A_92] : memref<80x128xi32, #tpu.memory_space<vmem>> -> memref<1x128xi32, #tpu.memory_space<vmem>>
        %dma_wait3A_94 = tpu.memref_squeeze %dma_wait3A_93 : memref<1x128xi32, #tpu.memory_space<vmem>> -> memref<128xi32, #tpu.memory_space<vmem>>
        %dma_wait3A_95 = arith.constant 0 : i32
        %dma_wait3A_96 = arith.constant 0 : i32
        %dma_wait3A_97 = tpu.memref_slice %arg7[%dma_wait3A_95, %dma_wait3A_96] : memref<10000x16xf32, #tpu.memory_space<vmem_shared>> -> memref<10000x16xf32, #tpu.memory_space<vmem_shared>>
        tpu.wait_indirect_dma semaphore(%run_scoped3A : memref<!tpu.dma_semaphore, #tpu.memory_space<semaphore_mem>>) src(%arg5 : memref<128x16xf32, #tpu.memory_space<vmem>>) dst(%dma_wait3A_97 : memref<10000x16xf32, #tpu.memory_space<vmem_shared>>)
        tpu.yield
      }) : () -> ()
    }
    %barrier3A_63 = arith.constant 0 : index
    tpu.barrier barrier_id(%barrier3A_63)
    %sub3A_64 = arith.constant 0 : i32
    %sub3A_65 = arith.subi %select_n3A, %sub3A_64 : i32
    %sub3A_66 = arith.constant 1 : i32
    %sub3A_67 = arith.constant 1 : i32
    %sub3A_68 = arith.subi %sub3A_66, %sub3A_67 : i32
    %add3A_69 = arith.addi %sub3A_65, %sub3A_68 : i32
    %div3A_70 = arith.constant 1 : i32
    %div3A_71 = arith.divsi %add3A_69, %div3A_70 : i32
    %while3A_72 = arith.constant 1 : i32
    %while3A_73 = arith.constant 0 : i32
    %while3A_74 = arith.constant 0 : i32
    %while3A_75 = arith.subi %div3A_71, %while3A_74 : i32
    %while3A_76 = arith.addi %while3A_74, %while3A_75 : i32
    %while3A_77 = arith.constant 1 : i32
    %while3A_78 = arith.divsi %while3A_75, %while3A_77 : i32
    %while3A_79 = arith.muli %while3A_78, %while3A_77 : i32
    %while3A_80 = arith.addi %while3A_74, %while3A_79 : i32
    %while3A_81 = arith.constant 1 : i32
    scf.for %while3A_83 = %while3A_74 to %while3A_80 step %while3A_81  : i32 {
      %mul3A_84 = arith.muli %while3A_83, %while3A_72 : i32
      %add3A_85 = arith.addi %while3A_73, %mul3A_84 : i32
      %mul3A_86 = arith.constant 16 : i32
      %mul3A_87 = arith.muli %add3A_85, %mul3A_86 : i32
      %add3A_88 = arith.addi %mul3A_87, %arg1 : i32
      %mul3A_89 = arith.constant 80 : i32
      %mul3A_90 = arith.muli %add3A_88, %mul3A_89 : i32
      %mul3A_91 = arith.constant 10000 : i32
      %mul3A_92 = arith.muli %arg0, %mul3A_91 : i32
      %add3A_93 = arith.addi %mul3A_92, %mul3A_90 : i32
      "tpu.region"() ({
        %run_scoped3A = tpu.sem_alloc : memref<!tpu.dma_semaphore, #tpu.memory_space<semaphore_mem>>
        %dma_start3A_94 = arith.constant 0 : i32
        %dma_start3A_95 = tpu.memref_slice %arg3[%add3A_93, %dma_start3A_94] : memref<20000x16xf32, #tpu.memory_space<hbm>> -> memref<80x16xf32, #tpu.memory_space<hbm>>
        %dma_start3A_96 = arith.constant 0 : i32
        %dma_start3A_97 = tpu.memref_slice %arg7[%mul3A_90, %dma_start3A_96] : memref<10000x16xf32, #tpu.memory_space<vmem_shared>> -> memref<80x16xf32, #tpu.memory_space<vmem_shared>>
        tpu.enqueue_dma source(%dma_start3A_97 : memref<80x16xf32, #tpu.memory_space<vmem_shared>>) target(%dma_start3A_95 : memref<80x16xf32, #tpu.memory_space<hbm>>) target_semaphore(%run_scoped3A : memref<!tpu.dma_semaphore, #tpu.memory_space<semaphore_mem>>)
        %dma_wait3A_98 = arith.constant 0 : i32
        %dma_wait3A_99 = tpu.memref_slice %arg3[%add3A_93, %dma_wait3A_98] : memref<20000x16xf32, #tpu.memory_space<hbm>> -> memref<80x16xf32, #tpu.memory_space<hbm>>
        %dma_wait3A_100 = arith.constant 0 : i32
        %dma_wait3A_101 = tpu.memref_slice %arg7[%mul3A_90, %dma_wait3A_100] : memref<10000x16xf32, #tpu.memory_space<vmem_shared>> -> memref<80x16xf32, #tpu.memory_space<vmem_shared>>
        tpu.wait_dma2 semaphore(%run_scoped3A : memref<!tpu.dma_semaphore, #tpu.memory_space<semaphore_mem>>) src(%dma_wait3A_101 : memref<80x16xf32, #tpu.memory_space<vmem_shared>>) dst(%dma_wait3A_99 : memref<80x16xf32, #tpu.memory_space<hbm>>)
        tpu.yield
      }) : () -> ()
    }
    %while3A_82 = arith.constant 1 : i32
    scf.for %while3A_83 = %while3A_80 to %while3A_76 step %while3A_82  : i32 {
      %mul3A_84 = arith.muli %while3A_83, %while3A_72 : i32
      %add3A_85 = arith.addi %while3A_73, %mul3A_84 : i32
      %mul3A_86 = arith.constant 16 : i32
      %mul3A_87 = arith.muli %add3A_85, %mul3A_86 : i32
      %add3A_88 = arith.addi %mul3A_87, %arg1 : i32
      %mul3A_89 = arith.constant 80 : i32
      %mul3A_90 = arith.muli %add3A_88, %mul3A_89 : i32
      %mul3A_91 = arith.constant 10000 : i32
      %mul3A_92 = arith.muli %arg0, %mul3A_91 : i32
      %add3A_93 = arith.addi %mul3A_92, %mul3A_90 : i32
      "tpu.region"() ({
        %run_scoped3A = tpu.sem_alloc : memref<!tpu.dma_semaphore, #tpu.memory_space<semaphore_mem>>
        %dma_start3A_94 = arith.constant 0 : i32
        %dma_start3A_95 = tpu.memref_slice %arg3[%add3A_93, %dma_start3A_94] : memref<20000x16xf32, #tpu.memory_space<hbm>> -> memref<80x16xf32, #tpu.memory_space<hbm>>
        %dma_start3A_96 = arith.constant 0 : i32
        %dma_start3A_97 = tpu.memref_slice %arg7[%mul3A_90, %dma_start3A_96] : memref<10000x16xf32, #tpu.memory_space<vmem_shared>> -> memref<80x16xf32, #tpu.memory_space<vmem_shared>>
        tpu.enqueue_dma source(%dma_start3A_97 : memref<80x16xf32, #tpu.memory_space<vmem_shared>>) target(%dma_start3A_95 : memref<80x16xf32, #tpu.memory_space<hbm>>) target_semaphore(%run_scoped3A : memref<!tpu.dma_semaphore, #tpu.memory_space<semaphore_mem>>)
        %dma_wait3A_98 = arith.constant 0 : i32
        %dma_wait3A_99 = tpu.memref_slice %arg3[%add3A_93, %dma_wait3A_98] : memref<20000x16xf32, #tpu.memory_space<hbm>> -> memref<80x16xf32, #tpu.memory_space<hbm>>
        %dma_wait3A_100 = arith.constant 0 : i32
        %dma_wait3A_101 = tpu.memref_slice %arg7[%mul3A_90, %dma_wait3A_100] : memref<10000x16xf32, #tpu.memory_space<vmem_shared>> -> memref<80x16xf32, #tpu.memory_space<vmem_shared>>
        tpu.wait_dma2 semaphore(%run_scoped3A : memref<!tpu.dma_semaphore, #tpu.memory_space<semaphore_mem>>) src(%dma_wait3A_101 : memref<80x16xf32, #tpu.memory_space<vmem_shared>>) dst(%dma_wait3A_99 : memref<80x16xf32, #tpu.memory_space<hbm>>)
        tpu.yield
      }) : () -> ()
    }
    return
  }
}

</mosaic_0001>

<sc_bundles>
// kernel: _sc_deg.3.cloned.1.call-start
scs
__scs_entry_jumppad:
0x0: {  	(pc) =	sbr.rel $0x88, $3  }
0x1: {  	(tag) =	ssettag $0x0;
	lr =	simm.s32 $0x1  }
0x2: {  	[smem:$0x3FA0] =	sst lr;
	_ =	strace $0xD0000000  }
0x3: {  	_ = 	snop  }
0x4: {  	_ = 	snop  }
0x5: {  	_ = 	snop  }
0x6: {  	_ = 	snop  }
0x7: {  	_ = 	snop  }
__scs_overlays_trampoline_lowered:
0x8: {  	[smem:$0x3FAF] =	sst s0  }
0x9: {  	[smem:$0x3FB0] =	sst s1  }
0xa: {  	[smem:$0x3FB1] =	sst s2  }
0xb: {  	[smem:$0x3FB2] =	sst s3  }
0xc: {  	[smem:$0x3FB3] =	sst s4  }
0xd: {  	[smem:$0x3FB4] =	sst s5  }
0xe: {  	[smem:$0x3FB5] =	sst s6  }
0xf: {  	[smem:$0x3FB6] =	sst s7  }
0x10: {  	[smem:$0x3FB7] =	sst s8  }
0x11: {  	[smem:$0x3FB8] =	sst s9;
	s0 =	simm.s32 @!p0 $0x0  }
0x12: {  	s1 =	sld [smem:$0x3F9E];
	s0 =	simm.s32 @p0 $0x1  }
0x13: {  	[smem:$0x3FB9] =	sst s0;
	s0 =	simm.s32 @!p1 $0x0  }
0x14: {  	s2 =	sld [smem:$0x3F9D];
	s0 =	simm.s32 @p1 $0x1  }
0x15: {  	[smem:$0x3FBA] =	sst s0;
	s0 =	simm.s32 @!p2 $0x0  }
0x16: {  	s3 =	sld [smem:$0x3FDB];
	s0 =	simm.s32 @p2 $0x1  }
0x17: {  	s4 =	simm.s32 $0x1BF5;
	[smem:$0x3FBC] =	sst s0  }
0x18: {  	s0 =	sld [smem:$0x3F9F];
	_ =	swait.ge [sflag:s4], $0x0  }
0x19: {  	s7 =	sld [smem:$0x3FA0]  }
0x1a: {  	s8 =	sadd.s32 $0xFFFFE003, lr  }
0x1b: {  	s9 =	sadd.s32 $0xFFFFFEF7, lr;
	s5 =	simm.s32 $0xFFFFFFFF;
	p2 =	slt.u32 s8, $0xFFFFF086  }
0x1c: {  	p1 =	slt.u32 s9, $0xF7A;
	s5 =	simm.s32 @!p2 $0x0  }
0x1d: {  	s5 =	simm.s32 @p1 $0x1;
	p0 =	seq.s32 s7, s2  }
0x1e: {  	s7 =	smul.u32 @!p0 $0xF7A, s2;
	p2 =	seq.s32 @!p0 s5, $0x0  }
0x1f: {  	s9 =	smul.u32 $0xF7A, s1;
	s8 =	simm.s32 @!p0 $0x1BF5;
	p2 =	por !p2, p0  }
0x20: {  	[sflag:s8] =	ssyncset.s32 @!p0 $0xFFFFF086;
	s6 =	sadd.s32 @!p0 s3, s7;
	s7 =	simm.s32 @!p0 $0x108  }
0x21: {  	s3 =	sadd.s32 s3, s9;
	s6 =	sadd.s32 @!p0 $0x88, s6;
	s7 =	simm.s32 @p2 $0x1082  }
0x22: {  	[simem:s7], [sflag:s8] =	dma.local @!p0 [hbm:s6], $0xF7A  }
0x23: {  	s9 =	sor.u32 $0xD0000000, s2;
	s6 =	simm.s32 $0x108;
	_ =	swait.ge @!p0 [sflag:s8], $0x0  }
0x24: {  	s3 =	sadd.s32 $0x88, s3;
	s6 =	simm.s32 @!p1 $0x1082;
	[sflag:s4] =	ssyncset.s32 $0xFFFFF086  }
0x25: {  	[simem:s6], [sflag:s4] =	dma.local [hbm:s3], $0xF7A  }
0x26: {  	[smem:$0x3FA0] =	sst s1;
	(tag) =	ssettag s2;
	_ =	strace s9  }
0x27: {  	s1 =	sld [smem:$0x3FB0]  }
0x28: {  	s2 =	sld [smem:$0x3FB1]  }
0x29: {  	s4 =	sld [smem:$0x3FB3]  }
0x2a: {  	p0 =	seq.s32 s5, $0x0;
	s5 =	sld [smem:$0x3FB4]  }
0x2b: {  	s6 =	sld [smem:$0x3FB5]  }
0x2c: {  	s7 =	sld [smem:$0x3FB6]  }
0x2d: {  	s3 =	simm.s32 $0x108;
	s8 =	sld [smem:$0x3FB7]  }
0x2e: {  	s3 =	simm.s32 @!p0 $0x1082;
	s9 =	sld [smem:$0x3FB8]  }
0x2f: {  	lr =	sadd.s32 s0, s3;
	s0 =	sld [smem:$0x3FAF]  }
0x30: {  	s3 =	sld [smem:$0x3FB2]  }
0x31: {  	[smem:$0x3FBB] =	sst s10  }
0x32: {  	s10 =	sld [smem:$0x3FB9];
	_ =	sdelay $0x3  }
0x33: {  	p0 =	seq.s32 s10, $0x1;
	s10 =	sld [smem:$0x3FBB];
	_ =	sdelay $0x3  }
0x34: {  	[smem:$0x3FBB] =	sst s10  }
0x35: {  	s10 =	sld [smem:$0x3FBA];
	_ =	sdelay $0x3  }
0x36: {  	p1 =	seq.s32 s10, $0x1;
	s10 =	sld [smem:$0x3FBB];
	_ =	sdelay $0x3  }
0x37: {  	[smem:$0x3FBB] =	sst s10  }
0x38: {  	s10 =	sld [smem:$0x3FBC]  }
0x39: {  	_ = 	snop;
	(pc) =	sbr.ind lr, $3  }
0x3a: {  	_ = 	snop  }
0x3b: {  	_ = 	snop  }
0x3c: {  	p2 =	seq.s32 s10, $0x1;
	s10 =	sld [smem:$0x3FBB]  }
0x3d: {  	_ =	shalt  }
0x3e: {  	_ =	shalt  }
0x3f: {  	_ =	shalt  }
0x40: {  	_ =	shalt  }
0x41: {  	_ =	shalt  }
0x42: {  	_ =	shalt  }
0x43: {  	_ =	shalt  }
0x44: {  	_ =	shalt  }
0x45: {  	_ =	shalt  }
0x46: {  	_ =	shalt  }
0x47: {  	_ =	shalt  }
0x48: {  	_ =	shalt  }
0x49: {  	_ =	shalt  }
0x4a: {  	_ =	shalt  }
0x4b: {  	_ =	shalt  }
0x4c: {  	_ =	shalt  }
0x4d: {  	_ =	shalt  }
0x4e: {  	_ =	shalt  }
0x4f: {  	_ =	shalt  }
0x50: {  	_ =	shalt  }
0x51: {  	_ =	shalt  }
0x52: {  	_ =	shalt  }
0x53: {  	_ =	shalt  }
0x54: {  	_ =	shalt  }
0x55: {  	_ =	shalt  }
0x56: {  	_ =	shalt  }
0x57: {  	_ =	shalt  }
0x58: {  	_ =	shalt  }
0x59: {  	_ =	shalt  }
0x5a: {  	_ =	shalt  }
0x5b: {  	_ =	shalt  }
0x5c: {  	_ =	shalt  }
0x5d: {  	_ =	shalt  }
0x5e: {  	_ =	shalt  }
0x5f: {  	_ =	shalt  }
0x60: {  	_ =	shalt  }
0x61: {  	_ =	shalt  }
0x62: {  	_ =	shalt  }
0x63: {  	_ =	shalt  }
0x64: {  	_ =	shalt  }
0x65: {  	_ =	shalt  }
0x66: {  	_ =	shalt  }
0x67: {  	_ =	shalt  }
0x68: {  	_ =	shalt  }
0x69: {  	_ =	shalt  }
0x6a: {  	_ =	shalt  }
0x6b: {  	_ =	shalt  }
0x6c: {  	_ =	shalt  }
0x6d: {  	_ =	shalt  }
0x6e: {  	_ =	shalt  }
0x6f: {  	_ =	shalt  }
0x70: {  	_ =	shalt  }
0x71: {  	_ =	shalt  }
0x72: {  	_ =	shalt  }
0x73: {  	_ =	shalt  }
0x74: {  	_ =	shalt  }
0x75: {  	_ =	shalt  }
0x76: {  	_ =	shalt  }
0x77: {  	_ =	shalt  }
0x78: {  	_ =	shalt  }
0x79: {  	_ =	shalt  }
0x7a: {  	_ =	shalt  }
0x7b: {  	_ =	shalt  }
0x7c: {  	_ =	shalt  }
0x7d: {  	_ =	shalt  }
0x7e: {  	_ =	shalt  }
0x7f: {  	_ =	shalt  }
0x80: {  	_ =	shalt  }
0x81: {  	_ =	shalt  }
0x82: {  	_ =	shalt  }
0x83: {  	_ =	shalt  }
0x84: {  	_ =	shalt  }
0x85: {  	_ =	shalt  }
0x86: {  	_ =	shalt  }
0x87: {  	_ =	shalt  }
.Lfunc_end0:
.L_simem_size_0:
called_computation_lowered:
.L_overlay_start_0:
0x88: {  	s2 =	sld [smem:$0x3FD9]  }
0x89: {  	s3 =	sld [smem:$0x3FFE];
	_ =	sdelay $0x1  }
0x8a: {  	s1 =	srdreg.scid  }
0x8b: {  	s0 =	sand.u32 $0x1, s1  }
0x8c: {  	s17 =	sshll.u32 s0, $0xA;
	s2 =	sadd.s32 s3, s2  }
0x8d: {  	s2 =	sadd.s32 s2, s17  }
0x8e: {  	[smem:$0x3FC7] =	sst s2  }
0x8f: {  	_ = 	snop  }
0x90: {  	s2 =	sld [smem:$0x3FC9];
	(tm) =	ssettm $0x1  }
0x91: {  	s18 =	sld [smem:$0x3FFB];
	_ =	sdelay $0x3  }
0x92: {  	_ =	strace s18  }
0x93: {  	s3 =	sld [smem:$0x3FFC];
	_ =	sdelay $0x3  }
0x94: {  	_ =	strace s3  }
0x95: {  	s3 =	sld [smem:$0x3FFD];
	_ =	sdelay $0x3  }
0x96: {  	_ =	strace s3  }
0x97: {  	_ =	strace $0x8FFFFFFF  }
0x98: {  	s19 =	sld [smem:$0x3FDB];
	_ =	sdelay $0x1  }
0x99: {  	s4 =	simm.s32 $_scs_section_size  }
0x9a: {  	s5 =	simm.s32 $_size__tile_overlayer_lowered;
	s6 =	simm.s32 $_tile_overlayer_lowered  }
0x9b: {  	s22 =	simm.s32 $0x1BFF;
	s21 =	sshll.u32 s6, $0x1;
	s3 =	sadd.s32 s4, s19  }
0x9c: {  	s7 =	simm.s32 $0x0;
	s20 =	sshll.u32 s5, $0x1;
	s5 =	sadd.s32 s21, s3  }
0x9d: {  	[timem:s7], [sflag:s22] =	dma.local [hbm:s5], s20  }
0x9e: {  	_ =	swait.ge [sflag:s22], s20  }
0x9f: {  	s4 =	ssub.s32 $0x0, s20;
	[sflag:s22] =	ssyncset.done $0x0  }
0xa0: {  	[sflag:s22] =	ssyncadd.s32 s4;
	_ =	sdelay $0x1  }
0xa1: {  	s23 =	simm.s32 $0x1B8B  }
0xa2: {  	_ =	swait.ge [sflag:s23], $0x1  }
0xa3: {  	[sflag:s23] =	ssyncset.done $0x0  }
0xa4: {  	s25 =	simm.s32 $0x1B8E;
	s24 =	sld [smem:$0x3FFE];
	[sflag:s23] =	ssyncadd.s32 $0xFFFFFFFF  }
0xa5: {  	s26 =	simm.s32 $execute0_lowered;
	[smem:$0x3FD2] =	sst s25  }
0xa6: {  	s5 =	sshll.u32 s26, $0x1;
	_ =	strace $0x80000046;
	[dreg:$0x1] =	wrdreg $0xFFFFFFFF  }
0xa7: {  	s28 =	simm.s32 $_size_execute0_lowered;
	s3 =	sadd.s32 s3, s5;
	[dreg:$0x0] =	wrdreg $0x0  }
0xa8: {  	s5 =	sshll.u32 s28, $0x1;
	[dreg:$0x2] =	wrdreg s3  }
0xa9: {  	[dreg:$0x3] =	wrdreg s5  }
0xaa: {  	[dreg:$0x4] =	wrdreg $0xC0  }
0xab: {  	_ =	task [dreg:s7], $0x5FFFF  }
0xac: {  	[dreg:$0x1] =	wrdreg $0xFFFFFFFF  }
0xad: {  	[dreg:$0x0] =	wrdreg $0x60  }
0xae: {  	[dreg:$0x2] =	wrdreg s2  }
0xaf: {  	[dreg:$0x3] =	wrdreg s24  }
0xb0: {  	[dreg:$0x4] =	wrdreg $0x90000  }
0xb1: {  	[dreg:$0x5] =	wrdreg $0x9  }
0xb2: {  	_ =	task.clear_ibuf [dreg:s7], $0x6FFFF;
	_ =	strace $0x90000046  }
0xb3: {  	s29 =	simm.s32 $0x9;
	_ =	strace $0x80000048  }
0xb4: {  	_ =	swait.ge [sflag:s29], $0x1  }
0xb5: {  	[sflag:s29] =	ssyncadd.s32 $0xFFFFFFFF  }
0xb6: {  	_ =	strace $0x90000048  }
0xb7: {  	_ =	sfence  }
0xb8: {  	s30 =	sld [smem:$0x0];
	_ =	sdelay $0x2  }
0xb9: {  	s31 =	sshll.u32 s1, $0xD;
	s1 =	sshrl.u32 s1, $0x2  }
0xba: {  	s3 =	sand.u32 $0x4000, s31;
	s1 =	sadd.s32 s1, s30  }
0xbb: {  	s0 =	sor.u32 s3, s0;
	s1 =	sshll.u32 s1, $0x11  }
0xbc: {  	s0 =	sor.u32 s1, s0  }
0xbd: {  	s0 =	sadd.s32 $0x8F2B, s0  }
0xbe: {  	[sflag:s0] =	ssyncadd.remote.s32 $0x1  }
0xbf: {  	_ =	sfence.sel $0xFFFF  }
0xc0: {  	[dreg:$0x0] =	wrdreg $0xFFFFFFFF;
	(pc) =	sbr.abs _section_cstart, $3  }
0xc1: {  	[dreg:$0x1] =	wrdreg $0xFFFFFFFF  }
0xc2: {  	_ =	task.clear_ibuf [dreg:s7], $0x2FFFF;
	_ =	strace $0x9FFFFFFF  }
0xc3: {  	(tm) =	ssettm $0x7FFFFFFF  }
tec
execute0_lowered:
.L_overlay_start_1:
0x0: {  	(tag) =	ssettag $0x1  }
0x1: {  	s4 =	rddreg [dreg:$0x0]  }
0x2: {  	s5 =	rddreg [dreg:$0x1]  }
0x3: {  	s2 =	rddreg [dreg:$0x2]  }
0x4: {  	s3 =	srdreg.scid;
	s1 =	stileid.u32  }
0x5: {  	s0 =	rddreg [dreg:$0x3];
	s11 =	simm.s32 $0x2;
	s12 =	simm.s32 $0x1  }
0x6: {  	s13 =	simm.s32 $0x80;
	s14 =	simm.s32 $0x2800;
	s16 =	simm.s32 $0x0  }
0x7: {  	s6 =	sand.u32 $0x1, s3;
	s7 =	sshll.u32 s1, $0x1;
	s30 =	smul.u32 $0xA000, s1  }
0x8: {  	s3 =	simm.s32 $0x0;
	p0 =	slt.u32 s1, $0xD;
	s31 =	smul.u32 $0x500, s1  }
0x9: {  	s15 =	sshll.u32 s1, $0x6;
	s8 =	smul.u32 $0x27100, s6;
	s7 =	sor.u32 s6, s7  }
0xa: {  	[smem:$0x7FF] =	sst s3;
	s6 =	ssub.s32 $0x2, s6;
	s15 =	sor.u32 $0x1C02, s15  }
0xb: {  	s9 =	smul.u32 $0x500, s7;
	_ =	strace $0x80000047;
	s29 =	sshrl.u32 s6, $0x1  }
0xc: {  	s7 =	smul.u32 $0xFFFFFFB0, s7;
	s10 =	sadd.s32 s8, s5;
	s6 =	ssub.s32 s6, s29  }
0xd: {  	s5 =	simm.s32 $0x8;
	s8 =	sshrl.u32 s30, $0x2;
	s4 =	sadd.s32 s4, s9  }
0xe: {  	s5 =	simm.s32 @!p0 $0x7;
	p0 =	slt.s32 s7, $0xFFFFF68C;
	s6 =	smax.u32 s6, $0x1  }
0xf: {  	s8 =	sadd.s32 s8, s2;
	s9 =	sadd.s32 s31, s10;
	s7 =	simm.s32 @!p0 $0xFFFFF68C  }
0x10: {  	v0 =	vimm.f32 $1.000000000e+00;
	v1 =	vimm.f32 $0.0e+00;
	s10 =	simm.s32 $0x6800;
	s9 =	sadd.s32 $0x400, s9;
	s7 =	sadd.s32 $0x9C3, s7  }
.LBB2_1:
0x11: {  	[tilespmem:s3], [sflag:$0x1] =	stream.linear.gather [hbm4b:s4+s3], $0x2800, $0x38;
	[tilespmem:$0xB710] =	vst v63  }
0x12: {  	s17 =	simm.s32 $0x0  }
.LBB2_2:
0x13: {  	p0 =	sne.s32 s17, $0xFE00  }
.Ltmp0:
0x14: {  	_ = 	snop;
	(pc) =	sbr.rel @p0 .LBB2_2-.Ltmp0, $3  }
0x15: {  	_ =	sdelay $0x1  }
0x16: {  	s18 =	sshra.s32 s17, $0x2  }
0x17: {  	s17 =	sadd.s32 $0x200, s17;
	[tilespmem:s18+$0x2800] =	vst v0  }
0x18: {  	s17 =	simm.s32 $0x200;
	s18 =	simm.s32 $0x0  }
.LBB2_4:
0x19: {  	p0 =	sne.s32 s17, $0x9E00;
	[tilespmem:s18+$0x6800] =	vst v1;
	s18 =	smov.u32 s17;
	s17 =	sadd.s32 $0x200, s17  }
.Ltmp1:
0x1a: {  	(pc) =	sbr.rel @p0 .LBB2_4-.Ltmp1, $2  }
0x1b: {  	_ =	sdelay $0x2  }
0x1c: {  	s18 =	sshra.s32 s18, $0x2  }
0x1d: {  	p0 =	sne.s32 s5, $0x1  }
.Ltmp2:
0x1e: {  	_ = 	snop;
	(pc) =	sbr.rel @!p0 .LBB2_7-.Ltmp2, $4  }
0x1f: {  	[tilespmem:s18+$0x6800] =	vst v1  }
0x20: {  	[spmem:s8] =	stream.linear.scatter [tilespmem:s10], [sflag:$0x2], $0x2800, $0x38;
	[tilespmem:$0xB710] =	vst v63  }
0x21: {  	_ =	swait.ge [sflag:s11], $0x2800  }
0x22: {  	s17 =	sadd.s32 $0xFFFFFFFF, s5;
	s18 =	smov.u32 s8;
	[sflag:s11] =	ssyncset.done $0x0  }
.LBB2_6:
0x23: {  	p1 =	sne.s32 s17, $0x1;
	[sflag:s11] =	ssyncadd.s32 $0xFFFFD800;
	s18 =	sadd.s32 $0x28000, s18  }
.Ltmp3:
0x24: {  	s17 =	sadd.s32 $0xFFFFFFFF, s17;
	(pc) =	sbr.rel @p1 .LBB2_6-.Ltmp3, $4  }
0x25: {  	_ = 	snop  }
0x26: {  	[spmem:s18] =	stream.linear.scatter [tilespmem:s10], [sflag:$0x2], $0x2800, $0x38;
	[tilespmem:$0xB710] =	vst v63  }
0x27: {  	_ =	swait.ge [sflag:s11], $0x2800  }
0x28: {  	[sflag:s11] =	ssyncset.done $0x0  }
.LBB2_7:
0x29: {  	[sflag:s11] =	ssyncadd.s32 $0xFFFFD800  }
0x2a: {  	_ =	swait.ge [sflag:s12], $0x2800  }
0x2b: {  	p1 =	sgt.u32 s7, $0x0;
	[sflag:s12] =	ssyncset.done $0x0  }
.Ltmp4:
0x2c: {  	[sflag:s12] =	ssyncadd.s32 $0xFFFFD800;
	(pc) =	sbr.rel @!p1 .LBB2_9-.Ltmp4, $4  }
0x2d: {  	s17 =	simm.s32 $0x0;
	[bflag:$0x0] =	sbarrier.arrive $0xFFFF  }
0x2e: {  	[spmem:s2] =	stream.indirect.scatter.add.f32 [tilespmem:s14], [sflag:$0x2], $0x10, s17, s13, $0xb8;
	[tilespmem:$0xB710] =	vst v63  }
0x2f: {  	_ =	swait.ge [sflag:s11], $0x800  }
0x30: {  	s18 =	simm.s32 $0x0;
	[sflag:s11] =	ssyncset.done $0x0  }
.LBB2_8:
0x31: {  	s18 =	sadd.s32 $0x1, s18  }
0x32: {  	[sflag:s11] =	ssyncadd.s32 $0xFFFFF800;
	s17 =	sadd.s32 $0x80, s17;
	p1 =	slt.u32 s18, s7  }
.Ltmp5:
0x33: {  	(pc) =	sbr.rel @p1 .LBB2_8-.Ltmp5, $4  }
0x34: {  	_ = 	snop  }
0x35: {  	[spmem:s2] =	stream.indirect.scatter.add.f32 [tilespmem:s14], [sflag:$0x2], $0x10, s17, s13, $0xb8;
	[tilespmem:$0xB710] =	vst v63  }
0x36: {  	_ =	swait.ge [sflag:s11], $0x800  }
0x37: {  	[sflag:s11] =	ssyncset.done $0x0  }
.LBB2_9:
.Ltmp6:
0x38: {  	[sflag:s11] =	ssyncadd.s32 $0xFFFFF800;
	(pc) =	sbr.rel @!p0 .LBB2_11-.Ltmp6, $4  }
0x39: {  	s17 =	sshrl.u32 s8, $0x3;
	[bflag:$0x0] =	sbarrier.arrive $0xFFFF  }
0x3a: {  	[hbm:s9], [sflag:s15] =	dma.local [spmem:s17], $0x500  }
0x3b: {  	s18 =	sadd.s32 $0x28000, s8;
	_ =	swait.ge [sflag:s11], $0x500  }
0x3c: {  	s19 =	smov.u32 s9;
	s17 =	sadd.s32 $0xFFFFFFFF, s5;
	[sflag:s11] =	ssyncset.done $0x0  }
.LBB2_10:
0x3d: {  	s20 =	sshrl.u32 s18, $0x3  }
0x3e: {  	[sflag:s11] =	ssyncadd.s32 $0xFFFFFB00;
	s19 =	sadd.s32 $0x5000, s19;
	p0 =	sne.s32 s17, $0x1  }
0x3f: {  	[hbm:s19], [sflag:s15] =	dma.local [spmem:s20], $0x500  }
.Ltmp7:
0x40: {  	_ = 	snop;
	(pc) =	sbr.rel @p0 .LBB2_10-.Ltmp7, $4  }
0x41: {  	_ = 	snop  }
0x42: {  	s17 =	sadd.s32 $0xFFFFFFFF, s17  }
0x43: {  	_ =	swait.ge [sflag:s11], $0x500  }
0x44: {  	s18 =	sadd.s32 $0x28000, s18;
	[sflag:s11] =	ssyncset.done $0x0  }
.LBB2_11:
0x45: {  	s16 =	sadd.s32 $0x1, s16  }
0x46: {  	p0 =	sne.s32 s16, s6  }
.Ltmp8:
0x47: {  	_ = 	snop;
	(pc) =	sbr.rel @p0 .LBB2_1-.Ltmp8, $2  }
0x48: {  	_ =	sdelay $0x2  }
0x49: {  	[sflag:s11] =	ssyncadd.s32 $0xFFFFFB00  }
0x4a: {  	_ =	sfence.sel $0x180000  }
0x4b: {  	[bflag:$0x0] =	sbarrier.arrive $0xFFFF  }
0x4c: {  	p0 =	sne.s32 s1, $0x0;
	_ =	strace $0x90000047  }
0x4d: {  	s0 =	sadd.s32 @!p0 $0x100000, s0;
	[bflag:$0x2] =	sbarrier.arrive $0xFFFF  }
0x4e: {  	[sflag:s0] =	ssyncadd.tile.s32 @!p0 $0x1;
	_ =	shalt  }
.Lfunc_end2:
_tile_overlayer_lowered:
.L_overlay_start_2:
0x4f: {  	(tag) =	ssettag $0x2  }
0x50: {  	s0 =	rddreg [dreg:$0x0];
	s2 =	stileid.u32  }
0x51: {  	s1 =	rddreg [dreg:$0x1];
	p0 =	sne.s32 s2, $0x0  }
0x52: {  	s3 =	rddreg [dreg:$0x2];
	[bflag:$0x3] =	sbarrier.arrive $0xFFFF;
	s2 =	simm.s32 @!p0 $0x1C02  }
0x53: {  	[timem:s3], [sflag:s2] =	dma.local @!p0 [hbm:s0], s1  }
0x54: {  	s0 =	simm.s32 @!p0 $0x2  }
0x55: {  	_ =	swait.ge @!p0 [sflag:s0], s1  }
0x56: {  	s1 =	ssub.s32 @!p0 $0x0, s1;
	[sflag:s0] =	ssyncset.done @!p0 $0x0  }
0x57: {  	[sflag:s0] =	ssyncadd.s32 @!p0 s1  }
0x58: {  	[bflag:$0x3] =	sbarrier.arrive $0xFFFF  }
0x59: {  	_ =	shalt  }

</sc_bundles>
